<compile_context>
chip_gen: v7x
topology: tpu7x:2x2x1
jax: 0.10.2.dev20260603
libtpu: 0.0.44.dev20260713+nightly
codegen_flags: <defaults>
</compile_context>

<pallas_src>
import functools

import jax
import jax.numpy as jnp
import numpy as np
from jax import lax
from jax.experimental import pallas as pl
from jax.experimental.pallas import tpu as pltpu
from jax.experimental.pallas import tpu_sc as plsc

B = 16384
BLK = 16384

_info = plsc.get_sparse_core_info()
_NC, _NS = _info.num_cores, _info.num_subcores
_NW = _NC * _NS
_BPW = B // _NW


@functools.partial(
    pl.kernel,
    mesh=plsc.VectorSubcoreMesh(core_axis_name="c", subcore_axis_name="s"),
    out_type=jax.ShapeDtypeStruct((B, 128), jnp.float32),
    scratch_types=[
        pltpu.VMEM((_BPW,), jnp.int32),
        pltpu.VMEM((_BPW, 128), jnp.float32),
        pltpu.SemaphoreType.DMA,
    ],
)
def _sc_gather(tab_hbm, idx_hbm, out_hbm, idx_v, rows_v, sem):
    wid = lax.axis_index("s") * _NC + lax.axis_index("c")
    base = wid * _BPW
    pltpu.sync_copy(idx_hbm.at[pl.ds(base, _BPW)], idx_v)
    pltpu.async_copy(tab_hbm.at[idx_v], rows_v, sem).wait()
    pltpu.sync_copy(rows_v, out_hbm.at[pl.ds(base, _BPW)])


def _tc_body(x_ref, fW1_ref, fb1_ref, fW2_ref, fb2_ref, fW3_ref, fb3_ref,
             cW1_ref, cb1_ref, cW2_ref, cb2_ref, cW3_ref, cb3_ref, out_ref):
    f32 = jnp.float32
    dg = jax.lax.dot_general

    def dotT(w, x):
        return dg(w, x, (((0,), (0,)), ((), ())), preferred_element_type=f32)

    fW1 = fW1_ref[...]
    cW1 = cW1_ref[...]
    x = x_ref[...]
    ones_row = jnp.ones((1, BLK), f32)

    W1f = jnp.concatenate([fW1[0:8, :], fb1_ref[...].reshape(1, 64),
                           fW1[8:16, :]], axis=0)
    h = jnp.maximum(dotT(W1f, x[0:17, :]), 0.0)
    W2f = jnp.concatenate([fW2_ref[...], fb2_ref[...].reshape(1, 32)], axis=0)
    h = jnp.maximum(dotT(W2f, jnp.concatenate([h, ones_row], 0)), 0.0)
    W3f = jnp.concatenate([fW3_ref[...], fb3_ref[...].reshape(1, 32)], axis=0)
    h3f = dotT(W3f, jnp.concatenate([h, ones_row], axis=0))

    W1c = jnp.concatenate([cW1[0:4, :], cb1_ref[...].reshape(1, 64),
                           cW1[4:14, :]], axis=0)
    h = jnp.maximum(dotT(W1c, x[17:32, :]), 0.0)
    W2c = jnp.concatenate([cW2_ref[...], cb2_ref[...].reshape(1, 32)], axis=0)
    h = jnp.maximum(dotT(W2c, jnp.concatenate([h, ones_row], 0)), 0.0)
    W3c = jnp.concatenate([cW3_ref[...], cb3_ref[...].reshape(1, 32)], axis=0)
    h3c = dotT(W3c, jnp.concatenate([h, ones_row], axis=0))

    out_ref[...] = dotT(jnp.ones((32, 1), f32), h3f * h3c)


_J = np.arange(4800)
_JF = _J // 48
_JG = (_J % 48) // 16
_JE = ((_J % 48) // 2) % 8
_JI = _J % 2


@jax.jit
def kernel(f_numeric, f_compindustry, c_numeric, c_gender, c_maxedu, c_ivy,
           firm_emb, gender_emb, maxedu_emb, ivy_emb,
           fW1, fb1, fW2, fb2, fW3, fb3,
           cW1, cb1, cW2, cb2, cW3, cb3):
    f32 = jnp.float32
    i32 = jnp.int32
    idx = (f_compindustry.astype(i32) * 48 + c_gender.astype(i32) * 16
           + c_maxedu.astype(i32) * 2 + c_ivy.astype(i32))

    rows = jnp.concatenate(
        [firm_emb[_JF], gender_emb[_JG], maxedu_emb[_JE], ivy_emb[_JI]],
        axis=1)
    tab = jnp.zeros((4800, 128), f32).at[:, 0:18].set(rows)

    g = _sc_gather(tab, idx)

    ones = jnp.ones((1, B), f32)
    xT = jnp.concatenate([
        f_numeric.T, ones, g.T[0:8, :],
        c_numeric.T, ones, g.T[8:18, :],
    ], axis=0)

    full = lambda a: pl.BlockSpec(a.shape, lambda i: (0,) * a.ndim)
    operands = (xT, fW1, fb1, fW2, fb2, fW3, fb3,
                cW1, cb1, cW2, cb2, cW3, cb3)
    in_specs = [pl.BlockSpec((32, BLK), lambda i: (0, i))] + [
        full(a) for a in operands[1:]]

    out = pl.pallas_call(
        _tc_body,
        grid=(B // BLK,),
        in_specs=in_specs,
        out_specs=pl.BlockSpec((1, BLK), lambda i: (0, i)),
        out_shape=jax.ShapeDtypeStruct((1, B), f32),
    )(*operands)
    return out.reshape(B, 1)

# --- scband reference (transcript-rebuilt; emitter-appended) ---
"""Pipeline reference for scband-ceofirm-matcher-91001767068028 (READ-ONLY COPY).

The authoritative reference and input builder live on the scoring server;
editing this copy changes nothing except your own understanding.
"""

import jax, jax.numpy as jnp
import numpy as np

B = 16384
N_IND, N_GEN, N_EDU, N_IVY = 100, 3, 8, 2
EMB_L, EMB_M, EMB_S, LATENT = 8, 4, 4, 32


def _k(i, seed=0):
    return jax.random.fold_in(jax.random.key(seed), i)


def setup_inputs(seed: int = 0) -> dict:
    def _k(i):
        return jax.random.fold_in(jax.random.key(seed), i)
    inp = {}
    inp['f_numeric'] = jax.random.normal(_k(1), (B, 8), dtype=jnp.float32)
    inp['f_compindustry'] = jax.random.randint(_k(2), (B,), 0, N_IND)
    inp['c_numeric'] = jax.random.normal(_k(3), (B, 4), dtype=jnp.float32)
    inp['c_gender'] = jax.random.randint(_k(4), (B,), 0, N_GEN)
    inp['c_maxedu'] = jax.random.randint(_k(5), (B,), 0, N_EDU)
    inp['c_ivy'] = jax.random.randint(_k(6), (B,), 0, N_IVY)
    # learned parameters
    inp['firm_emb'] = jax.random.normal(_k(10), (N_IND, EMB_L), dtype=jnp.float32)
    inp['gender_emb'] = jax.random.normal(_k(11), (N_GEN, EMB_M), dtype=jnp.float32)
    inp['maxedu_emb'] = jax.random.normal(_k(12), (N_EDU, EMB_M), dtype=jnp.float32)
    inp['ivy_emb'] = jax.random.normal(_k(13), (N_IVY, 2), dtype=jnp.float32)
    firm_in = 8 + EMB_L  # 16
    ceo_in = 4 + EMB_M + EMB_M + 2  # 14
    inp['fW1'] = jax.random.normal(_k(20), (firm_in, 64), dtype=jnp.float32) * (1.0 / np.sqrt(firm_in))
    inp['fb1'] = jnp.zeros((64,), dtype=jnp.float32)
    inp['fW2'] = jax.random.normal(_k(21), (64, 32), dtype=jnp.float32) * (1.0 / 8.0)
    inp['fb2'] = jnp.zeros((32,), dtype=jnp.float32)
    inp['fW3'] = jax.random.normal(_k(22), (32, LATENT), dtype=jnp.float32) * (1.0 / np.sqrt(32))
    inp['fb3'] = jnp.zeros((LATENT,), dtype=jnp.float32)
    inp['cW1'] = jax.random.normal(_k(23), (ceo_in, 64), dtype=jnp.float32) * (1.0 / np.sqrt(ceo_in))
    inp['cb1'] = jnp.zeros((64,), dtype=jnp.float32)
    inp['cW2'] = jax.random.normal(_k(24), (64, 32), dtype=jnp.float32) * (1.0 / 8.0)
    inp['cb2'] = jnp.zeros((32,), dtype=jnp.float32)
    inp['cW3'] = jax.random.normal(_k(25), (32, LATENT), dtype=jnp.float32) * (1.0 / np.sqrt(32))
    inp['cb3'] = jnp.zeros((LATENT,), dtype=jnp.float32)
    return inp


def _mlp(x, W1, b1, W2, b2, W3, b3):
    h = jax.nn.relu(x @ W1 + b1)
    h = jax.nn.relu(h @ W2 + b2)
    return h @ W3 + b3


def reference(f_numeric, f_compindustry, c_numeric, c_gender, c_maxedu, c_ivy,
              firm_emb, gender_emb, maxedu_emb, ivy_emb,
              fW1, fb1, fW2, fb2, fW3, fb3,
              cW1, cb1, cW2, cb2, cW3, cb3):
    f_emb = jnp.take(firm_emb, f_compindustry, axis=0)
    f_combined = jnp.concatenate([f_numeric, f_emb], axis=1)
    u_firm = _mlp(f_combined, fW1, fb1, fW2, fb2, fW3, fb3)
    c_g = jnp.take(gender_emb, c_gender, axis=0)
    c_e = jnp.take(maxedu_emb, c_maxedu, axis=0)
    c_i = jnp.take(ivy_emb, c_ivy, axis=0)
    c_combined = jnp.concatenate([c_numeric, c_g, c_e, c_i], axis=1)
    v_ceo = _mlp(c_combined, cW1, cb1, cW2, cb2, cW3, cb3)
    match_score = jnp.sum(u_firm * v_ceo, axis=1, keepdims=True)
    return match_score

if __name__ == "__main__":
    import jax
    _d = setup_inputs()
    print(jax.jit(kernel)(*tuple(_d.values())))

</pallas_src>

<mosaic_0001>
#map = affine_map<(d0, d1) -> (0, 0)>
#map1 = affine_map<(d0, d1) -> (0)>
module attributes {stable_mosaic.version = 14 : i64} {
  func.func @_sc_gather(%arg0: i32, %arg1: i32, %arg2: memref<4800x128xf32, #tpu.memory_space<hbm>>, %arg3: memref<16384xi32, #tpu.memory_space<hbm>>, %arg4: memref<16384x128xf32, #tpu.memory_space<hbm>>, %arg5: memref<512xi32, #tpu.memory_space<vmem>>, %arg6: memref<512x128xf32, #tpu.memory_space<vmem>>, %arg7: memref<!tpu.dma_semaphore, #tpu.memory_space<semaphore_mem>>) attributes {dimension_semantics = [#tpu.dimension_semantics<core_parallel>, #tpu.dimension_semantics<subcore_parallel>], iteration_bounds = array<i64: 2, 16>, scalar_prefetch = 0 : i64, scratch_operands = 3 : i64, tpu.core_type = #tpu.core_type<sc_vector_subcore>, window_params = [{transform_indices = #map}, {transform_indices = #map1}, {transform_indices = #map}]} {
    %mul3A = arith.constant 2 : i32
    %mul3A_0 = arith.muli %arg1, %mul3A : i32
    %add3A = arith.addi %mul3A_0, %arg0 : i32
    %mul3A_1 = arith.constant 512 : i32
    %mul3A_2 = arith.muli %add3A, %mul3A_1 : i32
    "tpu.region"() ({
      %run_scoped3A = tpu.sem_alloc : memref<!tpu.dma_semaphore, #tpu.memory_space<semaphore_mem>>
      %dma_start3A_7 = tpu.memref_slice %arg3[%mul3A_2] : memref<16384xi32, #tpu.memory_space<hbm>> -> memref<512xi32, #tpu.memory_space<hbm>>
      %dma_start3A_8 = tpu.memref_slice %arg3[%mul3A_2] : memref<16384xi32, #tpu.memory_space<hbm>> -> memref<512xi32, #tpu.memory_space<hbm>>
      tpu.enqueue_dma source(%dma_start3A_8 : memref<512xi32, #tpu.memory_space<hbm>>) target(%arg5 : memref<512xi32, #tpu.memory_space<vmem>>) target_semaphore(%run_scoped3A : memref<!tpu.dma_semaphore, #tpu.memory_space<semaphore_mem>>)
      %dma_wait3A_9 = tpu.memref_slice %arg3[%mul3A_2] : memref<16384xi32, #tpu.memory_space<hbm>> -> memref<512xi32, #tpu.memory_space<hbm>>
      %dma_wait3A_10 = tpu.memref_slice %arg3[%mul3A_2] : memref<16384xi32, #tpu.memory_space<hbm>> -> memref<512xi32, #tpu.memory_space<hbm>>
      tpu.wait_dma2 semaphore(%run_scoped3A : memref<!tpu.dma_semaphore, #tpu.memory_space<semaphore_mem>>) src(%dma_wait3A_10 : memref<512xi32, #tpu.memory_space<hbm>>) dst(%arg5 : memref<512xi32, #tpu.memory_space<vmem>>)
      tpu.yield
    }) : () -> ()
    %dma_start3A = arith.constant 0 : i32
    %dma_start3A_3 = arith.constant 0 : i32
    %dma_start3A_4 = tpu.memref_slice %arg2[%dma_start3A, %dma_start3A_3] : memref<4800x128xf32, #tpu.memory_space<hbm>> -> memref<4800x128xf32, #tpu.memory_space<hbm>>
    tpu.enqueue_indirect_dma source(%dma_start3A_4 : memref<4800x128xf32, #tpu.memory_space<hbm>>) target(%arg6 : memref<512x128xf32, #tpu.memory_space<vmem>>) offsets(%arg5 : memref<512xi32, #tpu.memory_space<vmem>>) semaphore(%arg7 : memref<!tpu.dma_semaphore, #tpu.memory_space<semaphore_mem>>)
    %dma_wait3A = arith.constant 0 : i32
    %dma_wait3A_5 = arith.constant 0 : i32
    %dma_wait3A_6 = tpu.memref_slice %arg2[%dma_wait3A, %dma_wait3A_5] : memref<4800x128xf32, #tpu.memory_space<hbm>> -> memref<4800x128xf32, #tpu.memory_space<hbm>>
    tpu.wait_indirect_dma semaphore(%arg7 : memref<!tpu.dma_semaphore, #tpu.memory_space<semaphore_mem>>) src(%dma_wait3A_6 : memref<4800x128xf32, #tpu.memory_space<hbm>>) dst(%arg6 : memref<512x128xf32, #tpu.memory_space<vmem>>)
    "tpu.region"() ({
      %run_scoped3A = tpu.sem_alloc : memref<!tpu.dma_semaphore, #tpu.memory_space<semaphore_mem>>
      %dma_start3A_7 = arith.constant 0 : i32
      %dma_start3A_8 = tpu.memref_slice %arg4[%mul3A_2, %dma_start3A_7] : memref<16384x128xf32, #tpu.memory_space<hbm>> -> memref<512x128xf32, #tpu.memory_space<hbm>>
      %dma_start3A_9 = arith.constant 0 : i32
      %dma_start3A_10 = tpu.memref_slice %arg4[%mul3A_2, %dma_start3A_9] : memref<16384x128xf32, #tpu.memory_space<hbm>> -> memref<512x128xf32, #tpu.memory_space<hbm>>
      tpu.enqueue_dma source(%arg6 : memref<512x128xf32, #tpu.memory_space<vmem>>) target(%dma_start3A_10 : memref<512x128xf32, #tpu.memory_space<hbm>>) target_semaphore(%run_scoped3A : memref<!tpu.dma_semaphore, #tpu.memory_space<semaphore_mem>>)
      %dma_wait3A_11 = arith.constant 0 : i32
      %dma_wait3A_12 = tpu.memref_slice %arg4[%mul3A_2, %dma_wait3A_11] : memref<16384x128xf32, #tpu.memory_space<hbm>> -> memref<512x128xf32, #tpu.memory_space<hbm>>
      %dma_wait3A_13 = arith.constant 0 : i32
      %dma_wait3A_14 = tpu.memref_slice %arg4[%mul3A_2, %dma_wait3A_13] : memref<16384x128xf32, #tpu.memory_space<hbm>> -> memref<512x128xf32, #tpu.memory_space<hbm>>
      tpu.wait_dma2 semaphore(%run_scoped3A : memref<!tpu.dma_semaphore, #tpu.memory_space<semaphore_mem>>) src(%arg6 : memref<512x128xf32, #tpu.memory_space<vmem>>) dst(%dma_wait3A_14 : memref<512x128xf32, #tpu.memory_space<hbm>>)
      tpu.yield
    }) : () -> ()
    return
  }
}

module attributes {stable_mosaic.version = 14 : i64} {
  func.func @_tc_body(%arg0: i32, %arg1: memref<32x16384xf32, #tpu.memory_space<vmem>>, %arg2: memref<16x64xf32, #tpu.memory_space<vmem>>, %arg3: memref<64xf32, #tpu.memory_space<vmem>>, %arg4: memref<64x32xf32, #tpu.memory_space<vmem>>, %arg5: memref<32xf32, #tpu.memory_space<vmem>>, %arg6: memref<32x32xf32, #tpu.memory_space<vmem>>, %arg7: memref<32xf32, #tpu.memory_space<vmem>>, %arg8: memref<14x64xf32, #tpu.memory_space<vmem>>, %arg9: memref<64xf32, #tpu.memory_space<vmem>>, %arg10: memref<64x32xf32, #tpu.memory_space<vmem>>, %arg11: memref<32xf32, #tpu.memory_space<vmem>>, %arg12: memref<32x32xf32, #tpu.memory_space<vmem>>, %arg13: memref<32xf32, #tpu.memory_space<vmem>>, %arg14: memref<1x16384xf32, #tpu.memory_space<vmem>>) attributes {dimension_semantics = [#tpu.dimension_semantics<arbitrary>], iteration_bounds = array<i64: 1>, scalar_prefetch = 0 : i64, scratch_operands = 0 : i64, tpu.core_type = #tpu.core_type<tc>, window_params = [{transform_indices = @transform_0, window_bounds = array<i64: 32, 16384>}, {pipeline_mode = #tpu.pipeline_mode<synchronous>, transform_indices = @transform_1, window_bounds = array<i64: 16, 64>}, {pipeline_mode = #tpu.pipeline_mode<synchronous>, transform_indices = @transform_2, window_bounds = array<i64: 64>}, {pipeline_mode = #tpu.pipeline_mode<synchronous>, transform_indices = @transform_3, window_bounds = array<i64: 64, 32>}, {pipeline_mode = #tpu.pipeline_mode<synchronous>, transform_indices = @transform_4, window_bounds = array<i64: 32>}, {pipeline_mode = #tpu.pipeline_mode<synchronous>, transform_indices = @transform_5, window_bounds = array<i64: 32, 32>}, {pipeline_mode = #tpu.pipeline_mode<synchronous>, transform_indices = @transform_6, window_bounds = array<i64: 32>}, {pipeline_mode = #tpu.pipeline_mode<synchronous>, transform_indices = @transform_7, window_bounds = array<i64: 14, 64>}, {pipeline_mode = #tpu.pipeline_mode<synchronous>, transform_indices = @transform_8, window_bounds = array<i64: 64>}, {pipeline_mode = #tpu.pipeline_mode<synchronous>, transform_indices = @transform_9, window_bounds = array<i64: 64, 32>}, {pipeline_mode = #tpu.pipeline_mode<synchronous>, transform_indices = @transform_10, window_bounds = array<i64: 32>}, {pipeline_mode = #tpu.pipeline_mode<synchronous>, transform_indices = @transform_11, window_bounds = array<i64: 32, 32>}, {pipeline_mode = #tpu.pipeline_mode<synchronous>, transform_indices = @transform_12, window_bounds = array<i64: 32>}, {transform_indices = @transform_13, window_bounds = array<i64: 1, 16384>}]} {
    %get3A = arith.constant 0 : index
    %get3A_0 = arith.constant 0 : index
    %get3A_1 = vector.load %arg2[%get3A, %get3A_0] : memref<16x64xf32, #tpu.memory_space<vmem>>, vector<16x64xf32>
    %get3A_2 = arith.constant 0 : index
    %get3A_3 = arith.constant 0 : index
    %get3A_4 = vector.load %arg8[%get3A_2, %get3A_3] : memref<14x64xf32, #tpu.memory_space<vmem>>, vector<14x64xf32>
    %get3A_5 = arith.constant 0 : index
    %get3A_6 = arith.constant 0 : index
    %get3A_7 = vector.load %arg1[%get3A_5, %get3A_6] : memref<32x16384xf32, #tpu.memory_space<vmem>>, vector<32x16384xf32>
    %broadcast_in_dim3A = arith.constant 1.000000e+00 : f32
    %broadcast_in_dim3A_8 = vector.broadcast %broadcast_in_dim3A : f32 to vector<1x16384xf32>
    %slice3A = vector.extract_strided_slice %get3A_1 {offsets = [0, 0], sizes = [8, 64], strides = [1, 1]} : vector<16x64xf32> to vector<8x64xf32>
    %get3A_9 = arith.constant 0 : index
    %get3A_10 = vector.load %arg3[%get3A_9] : memref<64xf32, #tpu.memory_space<vmem>>, vector<64xf32>
    %reshape3A = vector.shape_cast %get3A_10 : vector<64xf32> to vector<1x64xf32>
    %slice3A_11 = vector.extract_strided_slice %get3A_1 {offsets = [8, 0], sizes = [8, 64], strides = [1, 1]} : vector<16x64xf32> to vector<8x64xf32>
    %concatenate3A = tpu.concatenate %slice3A, %reshape3A, %slice3A_11 in 0 : vector<8x64xf32>, vector<1x64xf32>, vector<8x64xf32> -> vector<17x64xf32>
    %slice3A_12 = vector.extract_strided_slice %get3A_7 {offsets = [0, 0], sizes = [17, 16384], strides = [1, 1]} : vector<32x16384xf32> to vector<17x16384xf32>
    %dot_general3A = arith.constant dense<0.000000e+00> : vector<64x16384xf32>
    %dot_general3A_13 = tpu.matmul %concatenate3A, %slice3A_12, %dot_general3A {dimension_numbers = #tpu.dot_dimension_numbers<[0], [0], [1], [1], [0, 1, 1, 1], [], []>, transpose_lhs_hint = false} : vector<17x64xf32>, vector<17x16384xf32>, vector<64x16384xf32> -> vector<64x16384xf32>
    %max3A = arith.constant 0.000000e+00 : f32
    %max3A_14 = vector.broadcast %max3A : f32 to vector<64x16384xf32>
    %max3A_15 = arith.maximumf %dot_general3A_13, %max3A_14 : vector<64x16384xf32>
    %get3A_16 = arith.constant 0 : index
    %get3A_17 = arith.constant 0 : index
    %get3A_18 = vector.load %arg4[%get3A_16, %get3A_17] : memref<64x32xf32, #tpu.memory_space<vmem>>, vector<64x32xf32>
    %get3A_19 = arith.constant 0 : index
    %get3A_20 = vector.load %arg5[%get3A_19] : memref<32xf32, #tpu.memory_space<vmem>>, vector<32xf32>
    %reshape3A_21 = vector.shape_cast %get3A_20 : vector<32xf32> to vector<1x32xf32>
    %concatenate3A_22 = tpu.concatenate %get3A_18, %reshape3A_21 in 0 : vector<64x32xf32>, vector<1x32xf32> -> vector<65x32xf32>
    %concatenate3A_23 = tpu.concatenate %max3A_15, %broadcast_in_dim3A_8 in 0 : vector<64x16384xf32>, vector<1x16384xf32> -> vector<65x16384xf32>
    %dot_general3A_24 = arith.constant dense<0.000000e+00> : vector<32x16384xf32>
    %dot_general3A_25 = tpu.matmul %concatenate3A_22, %concatenate3A_23, %dot_general3A_24 {dimension_numbers = #tpu.dot_dimension_numbers<[0], [0], [1], [1], [0, 1, 1, 1], [], []>, transpose_lhs_hint = false} : vector<65x32xf32>, vector<65x16384xf32>, vector<32x16384xf32> -> vector<32x16384xf32>
    %max3A_26 = arith.constant 0.000000e+00 : f32
    %max3A_27 = vector.broadcast %max3A_26 : f32 to vector<32x16384xf32>
    %max3A_28 = arith.maximumf %dot_general3A_25, %max3A_27 : vector<32x16384xf32>
    %get3A_29 = arith.constant 0 : index
    %get3A_30 = arith.constant 0 : index
    %get3A_31 = vector.load %arg6[%get3A_29, %get3A_30] : memref<32x32xf32, #tpu.memory_space<vmem>>, vector<32x32xf32>
    %get3A_32 = arith.constant 0 : index
    %get3A_33 = vector.load %arg7[%get3A_32] : memref<32xf32, #tpu.memory_space<vmem>>, vector<32xf32>
    %reshape3A_34 = vector.shape_cast %get3A_33 : vector<32xf32> to vector<1x32xf32>
    %concatenate3A_35 = tpu.concatenate %get3A_31, %reshape3A_34 in 0 : vector<32x32xf32>, vector<1x32xf32> -> vector<33x32xf32>
    %concatenate3A_36 = tpu.concatenate %max3A_28, %broadcast_in_dim3A_8 in 0 : vector<32x16384xf32>, vector<1x16384xf32> -> vector<33x16384xf32>
    %dot_general3A_37 = arith.constant dense<0.000000e+00> : vector<32x16384xf32>
    %dot_general3A_38 = tpu.matmul %concatenate3A_35, %concatenate3A_36, %dot_general3A_37 {dimension_numbers = #tpu.dot_dimension_numbers<[0], [0], [1], [1], [0, 1, 1, 1], [], []>, transpose_lhs_hint = false} : vector<33x32xf32>, vector<33x16384xf32>, vector<32x16384xf32> -> vector<32x16384xf32>
    %slice3A_39 = vector.extract_strided_slice %get3A_4 {offsets = [0, 0], sizes = [4, 64], strides = [1, 1]} : vector<14x64xf32> to vector<4x64xf32>
    %get3A_40 = arith.constant 0 : index
    %get3A_41 = vector.load %arg9[%get3A_40] : memref<64xf32, #tpu.memory_space<vmem>>, vector<64xf32>
    %reshape3A_42 = vector.shape_cast %get3A_41 : vector<64xf32> to vector<1x64xf32>
    %slice3A_43 = vector.extract_strided_slice %get3A_4 {offsets = [4, 0], sizes = [10, 64], strides = [1, 1]} : vector<14x64xf32> to vector<10x64xf32>
    %concatenate3A_44 = tpu.concatenate %slice3A_39, %reshape3A_42, %slice3A_43 in 0 : vector<4x64xf32>, vector<1x64xf32>, vector<10x64xf32> -> vector<15x64xf32>
    %slice3A_45 = vector.extract_strided_slice %get3A_7 {offsets = [17, 0], sizes = [15, 16384], strides = [1, 1]} : vector<32x16384xf32> to vector<15x16384xf32>
    %dot_general3A_46 = arith.constant dense<0.000000e+00> : vector<64x16384xf32>
    %dot_general3A_47 = tpu.matmul %concatenate3A_44, %slice3A_45, %dot_general3A_46 {dimension_numbers = #tpu.dot_dimension_numbers<[0], [0], [1], [1], [0, 1, 1, 1], [], []>, transpose_lhs_hint = false} : vector<15x64xf32>, vector<15x16384xf32>, vector<64x16384xf32> -> vector<64x16384xf32>
    %max3A_48 = arith.constant 0.000000e+00 : f32
    %max3A_49 = vector.broadcast %max3A_48 : f32 to vector<64x16384xf32>
    %max3A_50 = arith.maximumf %dot_general3A_47, %max3A_49 : vector<64x16384xf32>
    %get3A_51 = arith.constant 0 : index
    %get3A_52 = arith.constant 0 : index
    %get3A_53 = vector.load %arg10[%get3A_51, %get3A_52] : memref<64x32xf32, #tpu.memory_space<vmem>>, vector<64x32xf32>
    %get3A_54 = arith.constant 0 : index
    %get3A_55 = vector.load %arg11[%get3A_54] : memref<32xf32, #tpu.memory_space<vmem>>, vector<32xf32>
    %reshape3A_56 = vector.shape_cast %get3A_55 : vector<32xf32> to vector<1x32xf32>
    %concatenate3A_57 = tpu.concatenate %get3A_53, %reshape3A_56 in 0 : vector<64x32xf32>, vector<1x32xf32> -> vector<65x32xf32>
    %concatenate3A_58 = tpu.concatenate %max3A_50, %broadcast_in_dim3A_8 in 0 : vector<64x16384xf32>, vector<1x16384xf32> -> vector<65x16384xf32>
    %dot_general3A_59 = arith.constant dense<0.000000e+00> : vector<32x16384xf32>
    %dot_general3A_60 = tpu.matmul %concatenate3A_57, %concatenate3A_58, %dot_general3A_59 {dimension_numbers = #tpu.dot_dimension_numbers<[0], [0], [1], [1], [0, 1, 1, 1], [], []>, transpose_lhs_hint = false} : vector<65x32xf32>, vector<65x16384xf32>, vector<32x16384xf32> -> vector<32x16384xf32>
    %max3A_61 = arith.constant 0.000000e+00 : f32
    %max3A_62 = vector.broadcast %max3A_61 : f32 to vector<32x16384xf32>
    %max3A_63 = arith.maximumf %dot_general3A_60, %max3A_62 : vector<32x16384xf32>
    %get3A_64 = arith.constant 0 : index
    %get3A_65 = arith.constant 0 : index
    %get3A_66 = vector.load %arg12[%get3A_64, %get3A_65] : memref<32x32xf32, #tpu.memory_space<vmem>>, vector<32x32xf32>
    %get3A_67 = arith.constant 0 : index
    %get3A_68 = vector.load %arg13[%get3A_67] : memref<32xf32, #tpu.memory_space<vmem>>, vector<32xf32>
    %reshape3A_69 = vector.shape_cast %get3A_68 : vector<32xf32> to vector<1x32xf32>
    %concatenate3A_70 = tpu.concatenate %get3A_66, %reshape3A_69 in 0 : vector<32x32xf32>, vector<1x32xf32> -> vector<33x32xf32>
    %concatenate3A_71 = tpu.concatenate %max3A_63, %broadcast_in_dim3A_8 in 0 : vector<32x16384xf32>, vector<1x16384xf32> -> vector<33x16384xf32>
    %dot_general3A_72 = arith.constant dense<0.000000e+00> : vector<32x16384xf32>
    %dot_general3A_73 = tpu.matmul %concatenate3A_70, %concatenate3A_71, %dot_general3A_72 {dimension_numbers = #tpu.dot_dimension_numbers<[0], [0], [1], [1], [0, 1, 1, 1], [], []>, transpose_lhs_hint = false} : vector<33x32xf32>, vector<33x16384xf32>, vector<32x16384xf32> -> vector<32x16384xf32>
    %broadcast_in_dim3A_74 = arith.constant 1.000000e+00 : f32
    %broadcast_in_dim3A_75 = vector.broadcast %broadcast_in_dim3A_74 : f32 to vector<32x1xf32>
    %mul3A = arith.mulf %dot_general3A_38, %dot_general3A_73 : vector<32x16384xf32>
    %dot_general3A_76 = arith.constant dense<0.000000e+00> : vector<1x16384xf32>
    %dot_general3A_77 = tpu.matmul %broadcast_in_dim3A_75, %mul3A, %dot_general3A_76 {dimension_numbers = #tpu.dot_dimension_numbers<[0], [0], [1], [1], [0, 1, 1, 1], [], []>, transpose_lhs_hint = false} : vector<32x1xf32>, vector<32x16384xf32>, vector<1x16384xf32> -> vector<1x16384xf32>
    %swap3A = arith.constant 0 : index
    %swap3A_78 = arith.constant 0 : index
    %swap3A_79 = vector.load %arg14[%swap3A, %swap3A_78] : memref<1x16384xf32, #tpu.memory_space<vmem>>, vector<1x16384xf32>
    tpu.vector_store %arg14[%swap3A, %swap3A_78], %dot_general3A_77 {strides = array<i32>} : memref<1x16384xf32, #tpu.memory_space<vmem>>, vector<1x16384xf32>,
    return
  }
  func.func @transform_0(%arg0: i32) -> (i32, i32) {
    %c0_i32 = arith.constant 0 : i32
    %c0_i32_0 = arith.constant 0 : i32
    return %c0_i32, %arg0 : i32, i32
  }
  func.func @transform_1(%arg0: i32) -> (i32, i32) {
    %c0_i32 = arith.constant 0 : i32
    %c0_i32_0 = arith.constant 0 : i32
    %c0_i32_1 = arith.constant 0 : i32
    return %c0_i32, %c0_i32_0 : i32, i32
  }
  func.func @transform_2(%arg0: i32) -> i32 {
    %c0_i32 = arith.constant 0 : i32
    %c0_i32_0 = arith.constant 0 : i32
    return %c0_i32 : i32
  }
  func.func @transform_3(%arg0: i32) -> (i32, i32) {
    %c0_i32 = arith.constant 0 : i32
    %c0_i32_0 = arith.constant 0 : i32
    %c0_i32_1 = arith.constant 0 : i32
    return %c0_i32, %c0_i32_0 : i32, i32
  }
  func.func @transform_4(%arg0: i32) -> i32 {
    %c0_i32 = arith.constant 0 : i32
    %c0_i32_0 = arith.constant 0 : i32
    return %c0_i32 : i32
  }
  func.func @transform_5(%arg0: i32) -> (i32, i32) {
    %c0_i32 = arith.constant 0 : i32
    %c0_i32_0 = arith.constant 0 : i32
    %c0_i32_1 = arith.constant 0 : i32
    return %c0_i32, %c0_i32_0 : i32, i32
  }
  func.func @transform_6(%arg0: i32) -> i32 {
    %c0_i32 = arith.constant 0 : i32
    %c0_i32_0 = arith.constant 0 : i32
    return %c0_i32 : i32
  }
  func.func @transform_7(%arg0: i32) -> (i32, i32) {
    %c0_i32 = arith.constant 0 : i32
    %c0_i32_0 = arith.constant 0 : i32
    %c0_i32_1 = arith.constant 0 : i32
    return %c0_i32, %c0_i32_0 : i32, i32
  }
  func.func @transform_8(%arg0: i32) -> i32 {
    %c0_i32 = arith.constant 0 : i32
    %c0_i32_0 = arith.constant 0 : i32
    return %c0_i32 : i32
  }
  func.func @transform_9(%arg0: i32) -> (i32, i32) {
    %c0_i32 = arith.constant 0 : i32
    %c0_i32_0 = arith.constant 0 : i32
    %c0_i32_1 = arith.constant 0 : i32
    return %c0_i32, %c0_i32_0 : i32, i32
  }
  func.func @transform_10(%arg0: i32) -> i32 {
    %c0_i32 = arith.constant 0 : i32
    %c0_i32_0 = arith.constant 0 : i32
    return %c0_i32 : i32
  }
  func.func @transform_11(%arg0: i32) -> (i32, i32) {
    %c0_i32 = arith.constant 0 : i32
    %c0_i32_0 = arith.constant 0 : i32
    %c0_i32_1 = arith.constant 0 : i32
    return %c0_i32, %c0_i32_0 : i32, i32
  }
  func.func @transform_12(%arg0: i32) -> i32 {
    %c0_i32 = arith.constant 0 : i32
    %c0_i32_0 = arith.constant 0 : i32
    return %c0_i32 : i32
  }
  func.func @transform_13(%arg0: i32) -> (i32, i32) {
    %c0_i32 = arith.constant 0 : i32
    %c0_i32_0 = arith.constant 0 : i32
    return %c0_i32, %arg0 : i32, i32
  }
}

</mosaic_0001>

<sc_bundles>
// kernel: kernel.4.cloned.1.call-start
scs
__scs_entry_jumppad:
0x0: {  	(pc) =	sbr.rel $0x88, $3  }
0x1: {  	(tag) =	ssettag $0x0;
	lr =	simm.s32 $0x1  }
0x2: {  	[smem:$0x3F8B] =	sst lr;
	_ =	strace $0xD0000000  }
0x3: {  	_ = 	snop  }
0x4: {  	_ = 	snop  }
0x5: {  	_ = 	snop  }
0x6: {  	_ = 	snop  }
0x7: {  	_ = 	snop  }
__scs_overlays_trampoline_lowered:
0x8: {  	[smem:$0x3F9A] =	sst s0  }
0x9: {  	[smem:$0x3F9B] =	sst s1  }
0xa: {  	[smem:$0x3F9C] =	sst s2  }
0xb: {  	[smem:$0x3F9D] =	sst s3  }
0xc: {  	[smem:$0x3F9E] =	sst s4  }
0xd: {  	[smem:$0x3F9F] =	sst s5  }
0xe: {  	[smem:$0x3FA0] =	sst s6  }
0xf: {  	[smem:$0x3FA1] =	sst s7  }
0x10: {  	[smem:$0x3FA2] =	sst s8  }
0x11: {  	[smem:$0x3FA3] =	sst s9;
	s0 =	simm.s32 @!p0 $0x0  }
0x12: {  	s1 =	sld [smem:$0x3F89];
	s0 =	simm.s32 @p0 $0x1  }
0x13: {  	[smem:$0x3FA4] =	sst s0;
	s0 =	simm.s32 @!p1 $0x0  }
0x14: {  	s2 =	sld [smem:$0x3F88];
	s0 =	simm.s32 @p1 $0x1  }
0x15: {  	[smem:$0x3FA5] =	sst s0;
	s0 =	simm.s32 @!p2 $0x0  }
0x16: {  	s3 =	sld [smem:$0x3FDB];
	s0 =	simm.s32 @p2 $0x1  }
0x17: {  	s4 =	simm.s32 $0x1BF5;
	[smem:$0x3FA7] =	sst s0  }
0x18: {  	s0 =	sld [smem:$0x3F8A];
	_ =	swait.ge [sflag:s4], $0x0  }
0x19: {  	s7 =	sld [smem:$0x3F8B]  }
0x1a: {  	s8 =	sadd.s32 $0xFFFFE003, lr  }
0x1b: {  	s9 =	sadd.s32 $0xFFFFFEF7, lr;
	s5 =	simm.s32 $0xFFFFFFFF;
	p2 =	slt.u32 s8, $0xFFFFF086  }
0x1c: {  	p1 =	slt.u32 s9, $0xF7A;
	s5 =	simm.s32 @!p2 $0x0  }
0x1d: {  	s5 =	simm.s32 @p1 $0x1;
	p0 =	seq.s32 s7, s2  }
0x1e: {  	s7 =	smul.u32 @!p0 $0xF7A, s2;
	p2 =	seq.s32 @!p0 s5, $0x0  }
0x1f: {  	s9 =	smul.u32 $0xF7A, s1;
	s8 =	simm.s32 @!p0 $0x1BF5;
	p2 =	por !p2, p0  }
0x20: {  	[sflag:s8] =	ssyncset.s32 @!p0 $0xFFFFF086;
	s6 =	sadd.s32 @!p0 s3, s7;
	s7 =	simm.s32 @!p0 $0x108  }
0x21: {  	s3 =	sadd.s32 s3, s9;
	s6 =	sadd.s32 @!p0 $0x88, s6;
	s7 =	simm.s32 @p2 $0x1082  }
0x22: {  	[simem:s7], [sflag:s8] =	dma.local @!p0 [hbm:s6], $0xF7A  }
0x23: {  	s9 =	sor.u32 $0xD0000000, s2;
	s6 =	simm.s32 $0x108;
	_ =	swait.ge @!p0 [sflag:s8], $0x0  }
0x24: {  	s3 =	sadd.s32 $0x88, s3;
	s6 =	simm.s32 @!p1 $0x1082;
	[sflag:s4] =	ssyncset.s32 $0xFFFFF086  }
0x25: {  	[simem:s6], [sflag:s4] =	dma.local [hbm:s3], $0xF7A  }
0x26: {  	[smem:$0x3F8B] =	sst s1;
	(tag) =	ssettag s2;
	_ =	strace s9  }
0x27: {  	s1 =	sld [smem:$0x3F9B]  }
0x28: {  	s2 =	sld [smem:$0x3F9C]  }
0x29: {  	s4 =	sld [smem:$0x3F9E]  }
0x2a: {  	p0 =	seq.s32 s5, $0x0;
	s5 =	sld [smem:$0x3F9F]  }
0x2b: {  	s6 =	sld [smem:$0x3FA0]  }
0x2c: {  	s7 =	sld [smem:$0x3FA1]  }
0x2d: {  	s3 =	simm.s32 $0x108;
	s8 =	sld [smem:$0x3FA2]  }
0x2e: {  	s3 =	simm.s32 @!p0 $0x1082;
	s9 =	sld [smem:$0x3FA3]  }
0x2f: {  	lr =	sadd.s32 s0, s3;
	s0 =	sld [smem:$0x3F9A]  }
0x30: {  	s3 =	sld [smem:$0x3F9D]  }
0x31: {  	[smem:$0x3FA6] =	sst s10  }
0x32: {  	s10 =	sld [smem:$0x3FA4];
	_ =	sdelay $0x3  }
0x33: {  	p0 =	seq.s32 s10, $0x1;
	s10 =	sld [smem:$0x3FA6];
	_ =	sdelay $0x3  }
0x34: {  	[smem:$0x3FA6] =	sst s10  }
0x35: {  	s10 =	sld [smem:$0x3FA5];
	_ =	sdelay $0x3  }
0x36: {  	p1 =	seq.s32 s10, $0x1;
	s10 =	sld [smem:$0x3FA6];
	_ =	sdelay $0x3  }
0x37: {  	[smem:$0x3FA6] =	sst s10  }
0x38: {  	s10 =	sld [smem:$0x3FA7]  }
0x39: {  	_ = 	snop;
	(pc) =	sbr.ind lr, $3  }
0x3a: {  	_ = 	snop  }
0x3b: {  	_ = 	snop  }
0x3c: {  	p2 =	seq.s32 s10, $0x1;
	s10 =	sld [smem:$0x3FA6]  }
0x3d: {  	_ =	shalt  }
0x3e: {  	_ =	shalt  }
0x3f: {  	_ =	shalt  }
0x40: {  	_ =	shalt  }
0x41: {  	_ =	shalt  }
0x42: {  	_ =	shalt  }
0x43: {  	_ =	shalt  }
0x44: {  	_ =	shalt  }
0x45: {  	_ =	shalt  }
0x46: {  	_ =	shalt  }
0x47: {  	_ =	shalt  }
0x48: {  	_ =	shalt  }
0x49: {  	_ =	shalt  }
0x4a: {  	_ =	shalt  }
0x4b: {  	_ =	shalt  }
0x4c: {  	_ =	shalt  }
0x4d: {  	_ =	shalt  }
0x4e: {  	_ =	shalt  }
0x4f: {  	_ =	shalt  }
0x50: {  	_ =	shalt  }
0x51: {  	_ =	shalt  }
0x52: {  	_ =	shalt  }
0x53: {  	_ =	shalt  }
0x54: {  	_ =	shalt  }
0x55: {  	_ =	shalt  }
0x56: {  	_ =	shalt  }
0x57: {  	_ =	shalt  }
0x58: {  	_ =	shalt  }
0x59: {  	_ =	shalt  }
0x5a: {  	_ =	shalt  }
0x5b: {  	_ =	shalt  }
0x5c: {  	_ =	shalt  }
0x5d: {  	_ =	shalt  }
0x5e: {  	_ =	shalt  }
0x5f: {  	_ =	shalt  }
0x60: {  	_ =	shalt  }
0x61: {  	_ =	shalt  }
0x62: {  	_ =	shalt  }
0x63: {  	_ =	shalt  }
0x64: {  	_ =	shalt  }
0x65: {  	_ =	shalt  }
0x66: {  	_ =	shalt  }
0x67: {  	_ =	shalt  }
0x68: {  	_ =	shalt  }
0x69: {  	_ =	shalt  }
0x6a: {  	_ =	shalt  }
0x6b: {  	_ =	shalt  }
0x6c: {  	_ =	shalt  }
0x6d: {  	_ =	shalt  }
0x6e: {  	_ =	shalt  }
0x6f: {  	_ =	shalt  }
0x70: {  	_ =	shalt  }
0x71: {  	_ =	shalt  }
0x72: {  	_ =	shalt  }
0x73: {  	_ =	shalt  }
0x74: {  	_ =	shalt  }
0x75: {  	_ =	shalt  }
0x76: {  	_ =	shalt  }
0x77: {  	_ =	shalt  }
0x78: {  	_ =	shalt  }
0x79: {  	_ =	shalt  }
0x7a: {  	_ =	shalt  }
0x7b: {  	_ =	shalt  }
0x7c: {  	_ =	shalt  }
0x7d: {  	_ =	shalt  }
0x7e: {  	_ =	shalt  }
0x7f: {  	_ =	shalt  }
0x80: {  	_ =	shalt  }
0x81: {  	_ =	shalt  }
0x82: {  	_ =	shalt  }
0x83: {  	_ =	shalt  }
0x84: {  	_ =	shalt  }
0x85: {  	_ =	shalt  }
0x86: {  	_ =	shalt  }
0x87: {  	_ =	shalt  }
.Lfunc_end0:
.L_simem_size_0:
called_computation_lowered:
.L_overlay_start_0:
0x88: {  	s2 =	sld [smem:$0x3FD9]  }
0x89: {  	s3 =	sld [smem:$0x3FFE];
	_ =	sdelay $0x1  }
0x8a: {  	s1 =	srdreg.scid  }
0x8b: {  	s0 =	sand.u32 $0x1, s1  }
0x8c: {  	s17 =	sshll.u32 s0, $0xA;
	s2 =	sadd.s32 s3, s2  }
0x8d: {  	s2 =	sadd.s32 s2, s17  }
0x8e: {  	[smem:$0x3FB2] =	sst s2  }
0x8f: {  	_ = 	snop  }
0x90: {  	s2 =	sld [smem:$0x3FD0];
	(tm) =	ssettm $0x1  }
0x91: {  	s18 =	sld [smem:$0x3FFB];
	_ =	sdelay $0x3  }
0x92: {  	_ =	strace s18  }
0x93: {  	s3 =	sld [smem:$0x3FFC];
	_ =	sdelay $0x3  }
0x94: {  	_ =	strace s3  }
0x95: {  	s3 =	sld [smem:$0x3FFD];
	_ =	sdelay $0x3  }
0x96: {  	_ =	strace s3  }
0x97: {  	_ =	strace $0x8FFFFFFF  }
0x98: {  	s19 =	sld [smem:$0x3FDB];
	_ =	sdelay $0x1  }
0x99: {  	s4 =	simm.s32 $_scs_section_size  }
0x9a: {  	s5 =	simm.s32 $_size__tile_overlayer_lowered;
	s6 =	simm.s32 $_tile_overlayer_lowered  }
0x9b: {  	s22 =	simm.s32 $0x1BFF;
	s21 =	sshll.u32 s6, $0x1;
	s3 =	sadd.s32 s4, s19  }
0x9c: {  	s7 =	simm.s32 $0x0;
	s20 =	sshll.u32 s5, $0x1;
	s5 =	sadd.s32 s21, s3  }
0x9d: {  	[timem:s7], [sflag:s22] =	dma.local [hbm:s5], s20  }
0x9e: {  	_ =	swait.ge [sflag:s22], s20  }
0x9f: {  	s4 =	ssub.s32 $0x0, s20;
	[sflag:s22] =	ssyncset.done $0x0  }
0xa0: {  	[sflag:s22] =	ssyncadd.s32 s4;
	_ =	sdelay $0x1  }
0xa1: {  	s23 =	simm.s32 $0x1B8B  }
0xa2: {  	_ =	swait.ge [sflag:s23], $0x1  }
0xa3: {  	[sflag:s23] =	ssyncset.done $0x0  }
0xa4: {  	s25 =	simm.s32 $0x1B8E;
	s24 =	sld [smem:$0x3FFE];
	[sflag:s23] =	ssyncadd.s32 $0xFFFFFFFF  }
0xa5: {  	s26 =	simm.s32 $execute0_lowered;
	[smem:$0x3FD2] =	sst s25  }
0xa6: {  	s5 =	sshll.u32 s26, $0x1;
	_ =	strace $0x80000046;
	[dreg:$0x1] =	wrdreg $0xFFFFFFFF  }
0xa7: {  	s28 =	simm.s32 $_size_execute0_lowered;
	s3 =	sadd.s32 s3, s5;
	[dreg:$0x0] =	wrdreg $0x0  }
0xa8: {  	s5 =	sshll.u32 s28, $0x1;
	[dreg:$0x2] =	wrdreg s3  }
0xa9: {  	[dreg:$0x3] =	wrdreg s5  }
0xaa: {  	[dreg:$0x4] =	wrdreg $0xC0  }
0xab: {  	_ =	task [dreg:s7], $0x5FFFF  }
0xac: {  	[dreg:$0x1] =	wrdreg $0xFFFFFFFF  }
0xad: {  	[dreg:$0x0] =	wrdreg $0x60  }
0xae: {  	[dreg:$0x2] =	wrdreg s24  }
0xaf: {  	[dreg:$0x3] =	wrdreg s2  }
0xb0: {  	[dreg:$0x4] =	wrdreg $0x9  }
0xb1: {  	_ =	task.clear_ibuf [dreg:s7], $0x5FFFF;
	_ =	strace $0x90000046  }
0xb2: {  	s29 =	simm.s32 $0x9;
	_ =	strace $0x80000048  }
0xb3: {  	_ =	swait.ge [sflag:s29], $0x1  }
0xb4: {  	[sflag:s29] =	ssyncadd.s32 $0xFFFFFFFF  }
0xb5: {  	_ =	strace $0x90000048  }
0xb6: {  	_ =	sfence  }
0xb7: {  	s30 =	sld [smem:$0x0];
	_ =	sdelay $0x2  }
0xb8: {  	s31 =	sshll.u32 s1, $0xD;
	s1 =	sshrl.u32 s1, $0x2  }
0xb9: {  	s3 =	sand.u32 $0x4000, s31;
	s1 =	sadd.s32 s1, s30  }
0xba: {  	s0 =	sor.u32 s3, s0;
	s1 =	sshll.u32 s1, $0x11  }
0xbb: {  	s0 =	sor.u32 s1, s0  }
0xbc: {  	s0 =	sadd.s32 $0x8F2B, s0  }
0xbd: {  	[sflag:s0] =	ssyncadd.remote.s32 $0x1  }
0xbe: {  	_ =	sfence.sel $0xFFFF  }
0xbf: {  	[dreg:$0x0] =	wrdreg $0xFFFFFFFF;
	(pc) =	sbr.abs _section_cstart, $3  }
0xc0: {  	[dreg:$0x1] =	wrdreg $0xFFFFFFFF  }
0xc1: {  	_ =	task.clear_ibuf [dreg:s7], $0x2FFFF;
	_ =	strace $0x9FFFFFFF  }
0xc2: {  	(tm) =	ssettm $0x7FFFFFFF  }
0xc3: {  	_ =	shalt  }
tec
execute0_lowered:
.L_overlay_start_1:
0x0: {  	(tag) =	ssettag $0x1  }
0x1: {  	s1 =	srdreg.scid  }
0x2: {  	s8 =	rddreg [dreg:$0x0];
	s0 =	stileid.u32  }
0x3: {  	s3 =	rddreg [dreg:$0x1];
	s2 =	simm.s32 $0x0;
	s6 =	sand.u32 $0x1, s1  }
0x4: {  	s4 =	sshll.u32 s0, $0xA;
	s1 =	rddreg [dreg:$0x2];
	s5 =	sshll.u32 s6, $0x9  }
0x5: {  	s7 =	simm.s32 $0x1;
	[smem:$0x7FF] =	sst s2;
	s9 =	sor.u32 s5, s4  }
0x6: {  	_ =	strace $0x80000047;
	s10 =	ssub.s32 $0x2, s6;
	s4 =	sshrl.u32 s9, $0x3  }
0x7: {  	s6 =	simm.s32 $0x200;
	s4 =	sadd.s32 s3, s4;
	s3 =	simm.s32 $0x2  }
0x8: {  	[tilespmem:s2], [sflag:$0x2] =	stream.linear.gather [hbm4b:s4+s2], $0x200, $0x38;
	[tilespmem:$0x10200] =	vst v63  }
0x9: {  	s5 =	sadd.s32 $0x2800, s8;
	s11 =	sshrl.u32 s10, $0x1;
	_ =	swait.ge [sflag:s3], $0x200  }
0xa: {  	s9 =	sshll.u32 s9, $0x4;
	s31 =	ssub.s32 s10, s11;
	[sflag:s3] =	ssyncset.done $0x0  }
0xb: {  	s8 =	sadd.s32 s9, s8;
	s9 =	smax.u32 s31, $0x1;
	[sflag:s3] =	ssyncadd.s32 $0xFFFFFE00  }
0xc: {  	[tilespmem:s6], [sflag:$0x1] =	stream.indirect.gather [hbm4b:s5+s6], $0x80, s2, s6, $0xb8;
	[tilespmem:$0x10200] =	vst v63  }
0xd: {  	p0 =	sne.s32 s9, $0x1;
	_ =	swait.ge [sflag:s7], $0x10000  }
.Ltmp0:
0xe: {  	[sflag:s7] =	ssyncset.done $0x0;
	(pc) =	sbr.rel @!p0 .LBB2_2-.Ltmp0, $4  }
0xf: {  	s8 =	sadd.s32 $0x15400, s8;
	[sflag:s7] =	ssyncadd.s32 $0xFFFF0000  }
0x10: {  	[hbm4b:s8+s2] =	stream.linear.scatter [tilespmem:s6], [sflag:$0x2], $0x10000, $0x38;
	[tilespmem:$0x10200] =	vst v63  }
0x11: {  	_ =	swait.ge [sflag:s3], $0x10000  }
0x12: {  	s9 =	sadd.s32 $0xFFFFFFFF, s9;
	[sflag:s3] =	ssyncset.done $0x0  }
.LBB2_1:
0x13: {  	p0 =	sne.s32 s9, $0x1;
	s9 =	sadd.s32 $0xFFFFFFFF, s9;
	[sflag:s3] =	ssyncadd.s32 $0xFFFF0000  }
0x14: {  	[tilespmem:s2], [sflag:$0x2] =	stream.linear.gather [hbm4b:s4+s2], $0x200, $0x38;
	[tilespmem:$0x10200] =	vst v63  }
0x15: {  	_ =	swait.ge [sflag:s3], $0x200  }
0x16: {  	[sflag:s3] =	ssyncset.done $0x0  }
0x17: {  	[sflag:s3] =	ssyncadd.s32 $0xFFFFFE00  }
0x18: {  	[tilespmem:s6], [sflag:$0x1] =	stream.indirect.gather [hbm4b:s5+s6], $0x80, s2, s6, $0xb8;
	[tilespmem:$0x10200] =	vst v63  }
0x19: {  	_ =	swait.ge [sflag:s7], $0x10000  }
.Ltmp1:
0x1a: {  	[sflag:s7] =	ssyncset.done $0x0;
	(pc) =	sbr.rel @p0 .LBB2_1-.Ltmp1, $4  }
0x1b: {  	[sflag:s7] =	ssyncadd.s32 $0xFFFF0000  }
0x1c: {  	[hbm4b:s8+s2] =	stream.linear.scatter [tilespmem:s6], [sflag:$0x2], $0x10000, $0x38;
	[tilespmem:$0x10200] =	vst v63  }
0x1d: {  	_ =	swait.ge [sflag:s3], $0x10000  }
0x1e: {  	[sflag:s3] =	ssyncset.done $0x0  }
.LBB2_2:
0x1f: {  	[sflag:s3] =	ssyncadd.s32 $0xFFFF0000  }
0x20: {  	_ =	sfence.sel $0x180000  }
0x21: {  	[bflag:$0x0] =	sbarrier.arrive $0xFFFF  }
0x22: {  	p0 =	sne.s32 s0, $0x0;
	_ =	strace $0x90000047  }
0x23: {  	s0 =	sadd.s32 @!p0 $0x100000, s1;
	[bflag:$0x2] =	sbarrier.arrive $0xFFFF  }
0x24: {  	[sflag:s0] =	ssyncadd.tile.s32 @!p0 $0x1;
	_ =	shalt  }
.Lfunc_end2:
_tile_overlayer_lowered:
.L_overlay_start_2:
0x25: {  	(tag) =	ssettag $0x2  }
0x26: {  	s0 =	rddreg [dreg:$0x0];
	s2 =	stileid.u32  }
0x27: {  	s1 =	rddreg [dreg:$0x1];
	p0 =	sne.s32 s2, $0x0  }
0x28: {  	s3 =	rddreg [dreg:$0x2];
	[bflag:$0x3] =	sbarrier.arrive $0xFFFF;
	s2 =	simm.s32 @!p0 $0x1C02  }
0x29: {  	[timem:s3], [sflag:s2] =	dma.local @!p0 [hbm:s0], s1  }
0x2a: {  	s0 =	simm.s32 @!p0 $0x2  }
0x2b: {  	_ =	swait.ge @!p0 [sflag:s0], s1  }
0x2c: {  	s1 =	ssub.s32 @!p0 $0x0, s1;
	[sflag:s0] =	ssyncset.done @!p0 $0x0  }
0x2d: {  	[sflag:s0] =	ssyncadd.s32 @!p0 s1  }
0x2e: {  	[bflag:$0x3] =	sbarrier.arrive $0xFFFF  }
0x2f: {  	_ =	shalt  }

</sc_bundles>
